<compile_context>
chip_gen: v7x
topology: tpu7x:2x2x1
jax: 0.10.2.dev20260603
libtpu: 0.0.44.dev20260713+nightly
codegen_flags: <defaults>
</compile_context>

<pallas_src>
import functools

import jax
import jax.numpy as jnp
from jax import lax
from jax.experimental import pallas as pl
from jax.experimental.pallas import tpu as pltpu
from jax.experimental.pallas import tpu_sc as plsc

R = 128
C = 32768
NC = 2
NS = 16
NW = NC * NS
RPW = 2
SC_ROWS = NW * RPW
TC_ROWS = R - SC_ROWS
NACC = 4
NGRP = 2
VPI = NACC * NGRP
NIT = (C // 16) // VPI
BR = 16

_mesh = plsc.VectorSubcoreMesh(core_axis_name="c", subcore_axis_name="s")


@functools.partial(
    pl.kernel,
    out_type=jax.ShapeDtypeStruct((NW, 16), jnp.int32),
    mesh=_mesh,
    compiler_params=pltpu.CompilerParams(needs_layout_passes=False),
    scratch_types=[
        pltpu.VMEM((C,), jnp.float32),
        pltpu.VMEM((C,), jnp.float32),
        pltpu.VMEM((16,), jnp.int32),
        pltpu.SemaphoreType.DMA,
        pltpu.SemaphoreType.DMA,
    ],
)
def _argmax_sc(x_hbm, out_hbm, buf0, buf1, res_v, sem0, sem1):
    wid = lax.axis_index("s") * NC + lax.axis_index("c")
    lane = lax.iota(jnp.int32, 16)
    bufs = (buf0, buf1)
    sems = (sem0, sem1)
    row0 = wid * RPW

    pltpu.make_async_copy(x_hbm.at[row0], bufs[0], sems[0]).start()

    res_vec = jnp.zeros((16,), jnp.int32)
    for rl in range(RPW):
        b = bufs[rl % 2]
        pltpu.make_async_copy(
            x_hbm.at[row0 + rl], b, sems[rl % 2]).wait()
        if rl + 1 < RPW:
            pltpu.make_async_copy(
                x_hbm.at[row0 + rl + 1],
                bufs[(rl + 1) % 2], sems[(rl + 1) % 2]).start()

        neg_inf = jnp.full((16,), -jnp.inf, jnp.float32)
        zero = jnp.zeros((16,), jnp.int32)
        init = (neg_inf,) * NACC + (zero,) * NACC

        def body(i, carry, b=b):
            cmax = list(carry[:NACC])
            crec = list(carry[NACC:])
            base = i * VPI
            for g in range(NGRP):
                for k in range(NACC):
                    gi = base + g * NACC + k
                    val = b[pl.ds(gi * 16, 16)]
                    m = val > cmax[k]
                    cmax[k] = jnp.where(m, val, cmax[k])
                    crec[k] = jnp.where(m, gi, crec[k])
            return tuple(cmax) + tuple(crec)

        acc = lax.fori_loop(0, NIT, body, init)
        cmax = list(acc[:NACC])
        crec = list(acc[NACC:])

        n = NACC
        while n > 1:
            for k in range(n // 2):
                av, bv = cmax[2 * k], cmax[2 * k + 1]
                ar, br = crec[2 * k], crec[2 * k + 1]
                take_a = (av > bv) | ((av == bv) & (ar < br))
                cmax[k] = jnp.where(take_a, av, bv)
                crec[k] = jnp.where(take_a, ar, br)
            n //= 2

        m = jnp.max(cmax[0])
        idx = crec[0] * 16 + lane
        cand = jnp.where(cmax[0] == m, idx, jnp.int32(0x7FFFFFFF))
        best = jnp.min(cand)
        res_vec = jnp.where(lane == rl, best, res_vec)

    res_v[...] = res_vec
    pltpu.sync_copy(res_v, out_hbm.at[wid])


def _argmax_tc_block(x_ref, o_ref):
    x = x_ref[...]
    m = jnp.max(x, axis=1, keepdims=True)
    ii = lax.broadcasted_iota(jnp.int32, (BR, C), 1)
    cand = jnp.where(x == m, ii, jnp.int32(0x7FFFFFFF))
    o_ref[...] = jnp.min(cand, axis=1, keepdims=True)


_argmax_tc = pl.pallas_call(
    _argmax_tc_block,
    grid=(TC_ROWS // BR,),
    in_specs=[pl.BlockSpec((BR, C), lambda i: (i + SC_ROWS // BR, 0))],
    out_specs=pl.BlockSpec((BR, 1), lambda i: (i + SC_ROWS // BR, 0)),
    out_shape=jax.ShapeDtypeStruct((R, 1), jnp.int32),
)


def kernel(input_data):
    sc_out = _argmax_sc(input_data)
    full = _argmax_tc(input_data)
    sc_part = sc_out[:, :RPW].reshape(SC_ROWS, 1)
    full = lax.dynamic_update_slice(full, sc_part, (0, 0))
    return full.astype(jnp.int64)

# --- scband reference (transcript-rebuilt; emitter-appended) ---
"""Pipeline reference for scband-onnx-arg-max-81355270520917 (READ-ONLY COPY).

The authoritative reference and input builder live on the scoring server;
editing this copy changes nothing except your own understanding.
"""

import jax, jax.numpy as jnp
import numpy as np

def setup_inputs(seed: int = 0) -> dict:
    key = jax.random.key(seed)
    input_data = jax.random.normal(key, (128, 32768), dtype=jnp.float32)
    return {"input_data": input_data}

def reference(input_data):
    # torch.argmax(input_data, dim=-1, keepdim=True)
    idx = jnp.argmax(input_data, axis=-1)
    return idx[..., None].astype(jnp.int64)

if __name__ == "__main__":
    import jax
    _d = setup_inputs()
    print(jax.jit(kernel)(*tuple(_d.values())))

</pallas_src>

<mosaic_0001>
#map = affine_map<(d0, d1) -> (0, 0)>
module attributes {stable_mosaic.version = 14 : i64} {
  func.func @_argmax_sc(%arg0: i32, %arg1: i32, %arg2: memref<128x32768xf32, #tpu.memory_space<hbm>>, %arg3: memref<32x16xi32, #tpu.memory_space<hbm>>, %arg4: memref<32768xf32, #tpu.memory_space<vmem>>, %arg5: memref<32768xf32, #tpu.memory_space<vmem>>, %arg6: memref<16xi32, #tpu.memory_space<vmem>>, %arg7: memref<!tpu.dma_semaphore, #tpu.memory_space<semaphore_mem>>, %arg8: memref<!tpu.dma_semaphore, #tpu.memory_space<semaphore_mem>>) attributes {dimension_semantics = [#tpu.dimension_semantics<core_parallel>, #tpu.dimension_semantics<subcore_parallel>], iteration_bounds = array<i64: 2, 16>, scalar_prefetch = 0 : i64, scratch_operands = 5 : i64, tpu.core_type = #tpu.core_type<sc_vector_subcore>, window_params = [{transform_indices = #map}, {transform_indices = #map}]} {
    %mul3A = arith.constant 2 : i32
    %mul3A_0 = arith.muli %arg1, %mul3A : i32
    %add3A = arith.addi %mul3A_0, %arg0 : i32
    %iota3A = tpu.iota {dimensions = array<i32: 0>} : vector<16xi32>
    %mul3A_1 = arith.constant 2 : i32
    %mul3A_2 = arith.muli %add3A, %mul3A_1 : i32
    %dma_start3A = arith.constant 0 : i32
    %dma_start3A_3 = tpu.memref_slice %arg2[%mul3A_2, %dma_start3A] : memref<128x32768xf32, #tpu.memory_space<hbm>> -> memref<1x32768xf32, #tpu.memory_space<hbm>>
    %dma_start3A_4 = tpu.memref_squeeze %dma_start3A_3 : memref<1x32768xf32, #tpu.memory_space<hbm>> -> memref<32768xf32, #tpu.memory_space<hbm>>
    %dma_start3A_5 = arith.constant 0 : i32
    %dma_start3A_6 = tpu.memref_slice %arg2[%mul3A_2, %dma_start3A_5] : memref<128x32768xf32, #tpu.memory_space<hbm>> -> memref<1x32768xf32, #tpu.memory_space<hbm>>
    %dma_start3A_7 = tpu.memref_squeeze %dma_start3A_6 : memref<1x32768xf32, #tpu.memory_space<hbm>> -> memref<32768xf32, #tpu.memory_space<hbm>>
    tpu.enqueue_dma source(%dma_start3A_7 : memref<32768xf32, #tpu.memory_space<hbm>>) target(%arg4 : memref<32768xf32, #tpu.memory_space<vmem>>) target_semaphore(%arg7 : memref<!tpu.dma_semaphore, #tpu.memory_space<semaphore_mem>>)
    %broadcast_in_dim3A = arith.constant 0 : i32
    %broadcast_in_dim3A_8 = vector.broadcast %broadcast_in_dim3A : i32 to vector<16xi32>
    %add3A_9 = arith.constant 0 : i32
    %add3A_10 = arith.addi %mul3A_2, %add3A_9 : i32
    %dma_wait3A = arith.constant 0 : i32
    %dma_wait3A_11 = tpu.memref_slice %arg2[%add3A_10, %dma_wait3A] : memref<128x32768xf32, #tpu.memory_space<hbm>> -> memref<1x32768xf32, #tpu.memory_space<hbm>>
    %dma_wait3A_12 = tpu.memref_squeeze %dma_wait3A_11 : memref<1x32768xf32, #tpu.memory_space<hbm>> -> memref<32768xf32, #tpu.memory_space<hbm>>
    %dma_wait3A_13 = arith.constant 0 : i32
    %dma_wait3A_14 = tpu.memref_slice %arg2[%add3A_10, %dma_wait3A_13] : memref<128x32768xf32, #tpu.memory_space<hbm>> -> memref<1x32768xf32, #tpu.memory_space<hbm>>
    %dma_wait3A_15 = tpu.memref_squeeze %dma_wait3A_14 : memref<1x32768xf32, #tpu.memory_space<hbm>> -> memref<32768xf32, #tpu.memory_space<hbm>>
    tpu.wait_dma2 semaphore(%arg7 : memref<!tpu.dma_semaphore, #tpu.memory_space<semaphore_mem>>) src(%dma_wait3A_15 : memref<32768xf32, #tpu.memory_space<hbm>>) dst(%arg4 : memref<32768xf32, #tpu.memory_space<vmem>>)
    %add3A_16 = arith.constant 0 : i32
    %add3A_17 = arith.addi %mul3A_2, %add3A_16 : i32
    %add3A_18 = arith.constant 1 : i32
    %add3A_19 = arith.addi %add3A_17, %add3A_18 : i32
    %dma_start3A_20 = arith.constant 0 : i32
    %dma_start3A_21 = tpu.memref_slice %arg2[%add3A_19, %dma_start3A_20] : memref<128x32768xf32, #tpu.memory_space<hbm>> -> memref<1x32768xf32, #tpu.memory_space<hbm>>
    %dma_start3A_22 = tpu.memref_squeeze %dma_start3A_21 : memref<1x32768xf32, #tpu.memory_space<hbm>> -> memref<32768xf32, #tpu.memory_space<hbm>>
    %dma_start3A_23 = arith.constant 0 : i32
    %dma_start3A_24 = tpu.memref_slice %arg2[%add3A_19, %dma_start3A_23] : memref<128x32768xf32, #tpu.memory_space<hbm>> -> memref<1x32768xf32, #tpu.memory_space<hbm>>
    %dma_start3A_25 = tpu.memref_squeeze %dma_start3A_24 : memref<1x32768xf32, #tpu.memory_space<hbm>> -> memref<32768xf32, #tpu.memory_space<hbm>>
    tpu.enqueue_dma source(%dma_start3A_25 : memref<32768xf32, #tpu.memory_space<hbm>>) target(%arg5 : memref<32768xf32, #tpu.memory_space<vmem>>) target_semaphore(%arg8 : memref<!tpu.dma_semaphore, #tpu.memory_space<semaphore_mem>>)
    %broadcast_in_dim3A_26 = arith.constant 0xFF800000 : f32
    %broadcast_in_dim3A_27 = vector.broadcast %broadcast_in_dim3A_26 : f32 to vector<16xf32>
    %broadcast_in_dim3A_28 = arith.constant 0 : i32
    %broadcast_in_dim3A_29 = vector.broadcast %broadcast_in_dim3A_28 : i32 to vector<16xi32>
    %scan3A = arith.constant 0 : i32
    %scan3A_30 = arith.constant 256 : i32
    %scan3A_31 = arith.addi %scan3A, %scan3A_30 : i32
    %scan3A_32 = arith.constant 1 : i32
    %scan3A_33:8 = scf.for %scan3A_139 = %scan3A to %scan3A_31 step %scan3A_32 iter_args(%scan3A_140 = %broadcast_in_dim3A_27, %scan3A_141 = %broadcast_in_dim3A_27, %scan3A_142 = %broadcast_in_dim3A_27, %scan3A_143 = %broadcast_in_dim3A_27, %scan3A_144 = %broadcast_in_dim3A_29, %scan3A_145 = %broadcast_in_dim3A_29, %scan3A_146 = %broadcast_in_dim3A_29, %scan3A_147 = %broadcast_in_dim3A_29) -> (vector<16xf32>, vector<16xf32>, vector<16xf32>, vector<16xf32>, vector<16xi32>, vector<16xi32>, vector<16xi32>, vector<16xi32>)  : i32 {
      %mul3A_148 = arith.constant 8 : i32
      %mul3A_149 = arith.muli %scan3A_139, %mul3A_148 : i32
      %add3A_150 = arith.constant 0 : i32
      %add3A_151 = arith.addi %mul3A_149, %add3A_150 : i32
      %add3A_152 = arith.constant 0 : i32
      %add3A_153 = arith.addi %add3A_151, %add3A_152 : i32
      %mul3A_154 = arith.constant 16 : i32
      %mul3A_155 = arith.muli %add3A_153, %mul3A_154 : i32
      %get3A = arith.index_cast %mul3A_155 : i32 to index
      %get3A_156 = tpu.vector_load %arg4[%get3A] {strides = array<i32>} : memref<32768xf32, #tpu.memory_space<vmem>>, vector<16xf32>,
      %gt3A_157 = arith.cmpf ogt, %get3A_156, %scan3A_140 : vector<16xf32>
      %select_n3A_158 = arith.select %gt3A_157, %get3A_156, %scan3A_140 : vector<16xi1>, vector<16xf32>
      %broadcast_in_dim3A_159 = vector.broadcast %add3A_153 : i32 to vector<16xi32>
      %select_n3A_160 = arith.select %gt3A_157, %broadcast_in_dim3A_159, %scan3A_144 : vector<16xi1>, vector<16xi32>
      %add3A_161 = arith.constant 0 : i32
      %add3A_162 = arith.addi %mul3A_149, %add3A_161 : i32
      %add3A_163 = arith.constant 1 : i32
      %add3A_164 = arith.addi %add3A_162, %add3A_163 : i32
      %mul3A_165 = arith.constant 16 : i32
      %mul3A_166 = arith.muli %add3A_164, %mul3A_165 : i32
      %get3A_167 = arith.index_cast %mul3A_166 : i32 to index
      %get3A_168 = tpu.vector_load %arg4[%get3A_167] {strides = array<i32>} : memref<32768xf32, #tpu.memory_space<vmem>>, vector<16xf32>,
      %gt3A_169 = arith.cmpf ogt, %get3A_168, %scan3A_141 : vector<16xf32>
      %select_n3A_170 = arith.select %gt3A_169, %get3A_168, %scan3A_141 : vector<16xi1>, vector<16xf32>
      %broadcast_in_dim3A_171 = vector.broadcast %add3A_164 : i32 to vector<16xi32>
      %select_n3A_172 = arith.select %gt3A_169, %broadcast_in_dim3A_171, %scan3A_145 : vector<16xi1>, vector<16xi32>
      %add3A_173 = arith.constant 0 : i32
      %add3A_174 = arith.addi %mul3A_149, %add3A_173 : i32
      %add3A_175 = arith.constant 2 : i32
      %add3A_176 = arith.addi %add3A_174, %add3A_175 : i32
      %mul3A_177 = arith.constant 16 : i32
      %mul3A_178 = arith.muli %add3A_176, %mul3A_177 : i32
      %get3A_179 = arith.index_cast %mul3A_178 : i32 to index
      %get3A_180 = tpu.vector_load %arg4[%get3A_179] {strides = array<i32>} : memref<32768xf32, #tpu.memory_space<vmem>>, vector<16xf32>,
      %gt3A_181 = arith.cmpf ogt, %get3A_180, %scan3A_142 : vector<16xf32>
      %select_n3A_182 = arith.select %gt3A_181, %get3A_180, %scan3A_142 : vector<16xi1>, vector<16xf32>
      %broadcast_in_dim3A_183 = vector.broadcast %add3A_176 : i32 to vector<16xi32>
      %select_n3A_184 = arith.select %gt3A_181, %broadcast_in_dim3A_183, %scan3A_146 : vector<16xi1>, vector<16xi32>
      %add3A_185 = arith.constant 0 : i32
      %add3A_186 = arith.addi %mul3A_149, %add3A_185 : i32
      %add3A_187 = arith.constant 3 : i32
      %add3A_188 = arith.addi %add3A_186, %add3A_187 : i32
      %mul3A_189 = arith.constant 16 : i32
      %mul3A_190 = arith.muli %add3A_188, %mul3A_189 : i32
      %get3A_191 = arith.index_cast %mul3A_190 : i32 to index
      %get3A_192 = tpu.vector_load %arg4[%get3A_191] {strides = array<i32>} : memref<32768xf32, #tpu.memory_space<vmem>>, vector<16xf32>,
      %gt3A_193 = arith.cmpf ogt, %get3A_192, %scan3A_143 : vector<16xf32>
      %select_n3A_194 = arith.select %gt3A_193, %get3A_192, %scan3A_143 : vector<16xi1>, vector<16xf32>
      %broadcast_in_dim3A_195 = vector.broadcast %add3A_188 : i32 to vector<16xi32>
      %select_n3A_196 = arith.select %gt3A_193, %broadcast_in_dim3A_195, %scan3A_147 : vector<16xi1>, vector<16xi32>
      %add3A_197 = arith.constant 4 : i32
      %add3A_198 = arith.addi %mul3A_149, %add3A_197 : i32
      %add3A_199 = arith.constant 0 : i32
      %add3A_200 = arith.addi %add3A_198, %add3A_199 : i32
      %mul3A_201 = arith.constant 16 : i32
      %mul3A_202 = arith.muli %add3A_200, %mul3A_201 : i32
      %get3A_203 = arith.index_cast %mul3A_202 : i32 to index
      %get3A_204 = tpu.vector_load %arg4[%get3A_203] {strides = array<i32>} : memref<32768xf32, #tpu.memory_space<vmem>>, vector<16xf32>,
      %gt3A_205 = arith.cmpf ogt, %get3A_204, %select_n3A_158 : vector<16xf32>
      %select_n3A_206 = arith.select %gt3A_205, %get3A_204, %select_n3A_158 : vector<16xi1>, vector<16xf32>
      %broadcast_in_dim3A_207 = vector.broadcast %add3A_200 : i32 to vector<16xi32>
      %select_n3A_208 = arith.select %gt3A_205, %broadcast_in_dim3A_207, %select_n3A_160 : vector<16xi1>, vector<16xi32>
      %add3A_209 = arith.constant 4 : i32
      %add3A_210 = arith.addi %mul3A_149, %add3A_209 : i32
      %add3A_211 = arith.constant 1 : i32
      %add3A_212 = arith.addi %add3A_210, %add3A_211 : i32
      %mul3A_213 = arith.constant 16 : i32
      %mul3A_214 = arith.muli %add3A_212, %mul3A_213 : i32
      %get3A_215 = arith.index_cast %mul3A_214 : i32 to index
      %get3A_216 = tpu.vector_load %arg4[%get3A_215] {strides = array<i32>} : memref<32768xf32, #tpu.memory_space<vmem>>, vector<16xf32>,
      %gt3A_217 = arith.cmpf ogt, %get3A_216, %select_n3A_170 : vector<16xf32>
      %select_n3A_218 = arith.select %gt3A_217, %get3A_216, %select_n3A_170 : vector<16xi1>, vector<16xf32>
      %broadcast_in_dim3A_219 = vector.broadcast %add3A_212 : i32 to vector<16xi32>
      %select_n3A_220 = arith.select %gt3A_217, %broadcast_in_dim3A_219, %select_n3A_172 : vector<16xi1>, vector<16xi32>
      %add3A_221 = arith.constant 4 : i32
      %add3A_222 = arith.addi %mul3A_149, %add3A_221 : i32
      %add3A_223 = arith.constant 2 : i32
      %add3A_224 = arith.addi %add3A_222, %add3A_223 : i32
      %mul3A_225 = arith.constant 16 : i32
      %mul3A_226 = arith.muli %add3A_224, %mul3A_225 : i32
      %get3A_227 = arith.index_cast %mul3A_226 : i32 to index
      %get3A_228 = tpu.vector_load %arg4[%get3A_227] {strides = array<i32>} : memref<32768xf32, #tpu.memory_space<vmem>>, vector<16xf32>,
      %gt3A_229 = arith.cmpf ogt, %get3A_228, %select_n3A_182 : vector<16xf32>
      %select_n3A_230 = arith.select %gt3A_229, %get3A_228, %select_n3A_182 : vector<16xi1>, vector<16xf32>
      %broadcast_in_dim3A_231 = vector.broadcast %add3A_224 : i32 to vector<16xi32>
      %select_n3A_232 = arith.select %gt3A_229, %broadcast_in_dim3A_231, %select_n3A_184 : vector<16xi1>, vector<16xi32>
      %add3A_233 = arith.constant 4 : i32
      %add3A_234 = arith.addi %mul3A_149, %add3A_233 : i32
      %add3A_235 = arith.constant 3 : i32
      %add3A_236 = arith.addi %add3A_234, %add3A_235 : i32
      %mul3A_237 = arith.constant 16 : i32
      %mul3A_238 = arith.muli %add3A_236, %mul3A_237 : i32
      %get3A_239 = arith.index_cast %mul3A_238 : i32 to index
      %get3A_240 = tpu.vector_load %arg4[%get3A_239] {strides = array<i32>} : memref<32768xf32, #tpu.memory_space<vmem>>, vector<16xf32>,
      %gt3A_241 = arith.cmpf ogt, %get3A_240, %select_n3A_194 : vector<16xf32>
      %select_n3A_242 = arith.select %gt3A_241, %get3A_240, %select_n3A_194 : vector<16xi1>, vector<16xf32>
      %broadcast_in_dim3A_243 = vector.broadcast %add3A_236 : i32 to vector<16xi32>
      %select_n3A_244 = arith.select %gt3A_241, %broadcast_in_dim3A_243, %select_n3A_196 : vector<16xi1>, vector<16xi32>
      scf.yield %select_n3A_206, %select_n3A_218, %select_n3A_230, %select_n3A_242, %select_n3A_208, %select_n3A_220, %select_n3A_232, %select_n3A_244 : vector<16xf32>, vector<16xf32>, vector<16xf32>, vector<16xf32>, vector<16xi32>, vector<16xi32>, vector<16xi32>, vector<16xi32>
    }
    %scan3A_34 = arith.constant 256 : i32
    %gt3A = arith.cmpf ogt, %scan3A_33#0, %scan3A_33#1 : vector<16xf32>
    %eq3A = arith.cmpf oeq, %scan3A_33#0, %scan3A_33#1 : vector<16xf32>
    %lt3A = arith.cmpi slt, %scan3A_33#4, %scan3A_33#5 : vector<16xi32>
    %and3A = arith.andi %eq3A, %lt3A : vector<16xi1>
    %or3A = arith.ori %gt3A, %and3A : vector<16xi1>
    %select_n3A = arith.select %or3A, %scan3A_33#0, %scan3A_33#1 : vector<16xi1>, vector<16xf32>
    %select_n3A_35 = arith.select %or3A, %scan3A_33#4, %scan3A_33#5 : vector<16xi1>, vector<16xi32>
    %gt3A_36 = arith.cmpf ogt, %scan3A_33#2, %scan3A_33#3 : vector<16xf32>
    %eq3A_37 = arith.cmpf oeq, %scan3A_33#2, %scan3A_33#3 : vector<16xf32>
    %lt3A_38 = arith.cmpi slt, %scan3A_33#6, %scan3A_33#7 : vector<16xi32>
    %and3A_39 = arith.andi %eq3A_37, %lt3A_38 : vector<16xi1>
    %or3A_40 = arith.ori %gt3A_36, %and3A_39 : vector<16xi1>
    %select_n3A_41 = arith.select %or3A_40, %scan3A_33#2, %scan3A_33#3 : vector<16xi1>, vector<16xf32>
    %select_n3A_42 = arith.select %or3A_40, %scan3A_33#6, %scan3A_33#7 : vector<16xi1>, vector<16xi32>
    %gt3A_43 = arith.cmpf ogt, %select_n3A, %select_n3A_41 : vector<16xf32>
    %eq3A_44 = arith.cmpf oeq, %select_n3A, %select_n3A_41 : vector<16xf32>
    %lt3A_45 = arith.cmpi slt, %select_n3A_35, %select_n3A_42 : vector<16xi32>
    %and3A_46 = arith.andi %eq3A_44, %lt3A_45 : vector<16xi1>
    %or3A_47 = arith.ori %gt3A_43, %and3A_46 : vector<16xi1>
    %select_n3A_48 = arith.select %or3A_47, %select_n3A, %select_n3A_41 : vector<16xi1>, vector<16xf32>
    %select_n3A_49 = arith.select %or3A_47, %select_n3A_35, %select_n3A_42 : vector<16xi1>, vector<16xi32>
    %reduce_max3A = arith.constant true
    %reduce_max3A_50 = vector.broadcast %reduce_max3A : i1 to vector<16xi1>
    %reduce_max3A_51 = tpu.scan <max>, %select_n3A_48 masked %reduce_max3A_50 : vector<16xf32>, vector<16xi1> -> vector<16xf32>
    %reduce_max3A_52 = vector.extract %reduce_max3A_51[15] : f32 from vector<16xf32>
    %mul3A_53 = arith.constant 16 : i32
    %mul3A_54 = vector.broadcast %mul3A_53 : i32 to vector<16xi32>
    %mul3A_55 = arith.muli %select_n3A_49, %mul3A_54 : vector<16xi32>
    %add3A_56 = arith.addi %mul3A_55, %iota3A : vector<16xi32>
    %eq3A_57 = vector.broadcast %reduce_max3A_52 : f32 to vector<16xf32>
    %eq3A_58 = arith.cmpf oeq, %select_n3A_48, %eq3A_57 : vector<16xf32>
    %jit3A = arith.constant 2147483647 : i32
    %broadcast_in_dim3A_59 = vector.broadcast %jit3A : i32 to vector<16xi32>
    %select_n3A_60 = arith.select %eq3A_58, %add3A_56, %broadcast_in_dim3A_59 : vector<16xi1>, vector<16xi32>
    %reduce_min3A = arith.constant true
    %reduce_min3A_61 = vector.broadcast %reduce_min3A : i1 to vector<16xi1>
    %reduce_min3A_62 = arith.constant -2147483648 : i32
    %reduce_min3A_63 = vector.broadcast %reduce_min3A_62 : i32 to vector<16xi32>
    %reduce_min3A_64 = arith.xori %select_n3A_60, %reduce_min3A_63 : vector<16xi32>
    %reduce_min3A_65 = tpu.scan <min>, %reduce_min3A_64 masked %reduce_min3A_61 : vector<16xi32>, vector<16xi1> -> vector<16xi32>
    %reduce_min3A_66 = arith.xori %reduce_min3A_65, %reduce_min3A_63 : vector<16xi32>
    %reduce_min3A_67 = vector.extract %reduce_min3A_66[15] : i32 from vector<16xi32>
    %eq3A_68 = arith.constant 0 : i32
    %eq3A_69 = vector.broadcast %eq3A_68 : i32 to vector<16xi32>
    %eq3A_70 = arith.cmpi eq, %iota3A, %eq3A_69 : vector<16xi32>
    %broadcast_in_dim3A_71 = vector.broadcast %reduce_min3A_67 : i32 to vector<16xi32>
    %select_n3A_72 = arith.select %eq3A_70, %broadcast_in_dim3A_71, %broadcast_in_dim3A_8 : vector<16xi1>, vector<16xi32>
    %add3A_73 = arith.constant 1 : i32
    %add3A_74 = arith.addi %mul3A_2, %add3A_73 : i32
    %dma_wait3A_75 = arith.constant 0 : i32
    %dma_wait3A_76 = tpu.memref_slice %arg2[%add3A_74, %dma_wait3A_75] : memref<128x32768xf32, #tpu.memory_space<hbm>> -> memref<1x32768xf32, #tpu.memory_space<hbm>>
    %dma_wait3A_77 = tpu.memref_squeeze %dma_wait3A_76 : memref<1x32768xf32, #tpu.memory_space<hbm>> -> memref<32768xf32, #tpu.memory_space<hbm>>
    %dma_wait3A_78 = arith.constant 0 : i32
    %dma_wait3A_79 = tpu.memref_slice %arg2[%add3A_74, %dma_wait3A_78] : memref<128x32768xf32, #tpu.memory_space<hbm>> -> memref<1x32768xf32, #tpu.memory_space<hbm>>
    %dma_wait3A_80 = tpu.memref_squeeze %dma_wait3A_79 : memref<1x32768xf32, #tpu.memory_space<hbm>> -> memref<32768xf32, #tpu.memory_space<hbm>>
    tpu.wait_dma2 semaphore(%arg8 : memref<!tpu.dma_semaphore, #tpu.memory_space<semaphore_mem>>) src(%dma_wait3A_80 : memref<32768xf32, #tpu.memory_space<hbm>>) dst(%arg5 : memref<32768xf32, #tpu.memory_space<vmem>>)
    %broadcast_in_dim3A_81 = arith.constant 0xFF800000 : f32
    %broadcast_in_dim3A_82 = vector.broadcast %broadcast_in_dim3A_81 : f32 to vector<16xf32>
    %broadcast_in_dim3A_83 = arith.constant 0 : i32
    %broadcast_in_dim3A_84 = vector.broadcast %broadcast_in_dim3A_83 : i32 to vector<16xi32>
    %scan3A_85 = arith.constant 0 : i32
    %scan3A_86 = arith.constant 256 : i32
    %scan3A_87 = arith.addi %scan3A_85, %scan3A_86 : i32
    %scan3A_88 = arith.constant 1 : i32
    %scan3A_89:8 = scf.for %scan3A_139 = %scan3A_85 to %scan3A_87 step %scan3A_88 iter_args(%scan3A_140 = %broadcast_in_dim3A_82, %scan3A_141 = %broadcast_in_dim3A_82, %scan3A_142 = %broadcast_in_dim3A_82, %scan3A_143 = %broadcast_in_dim3A_82, %scan3A_144 = %broadcast_in_dim3A_84, %scan3A_145 = %broadcast_in_dim3A_84, %scan3A_146 = %broadcast_in_dim3A_84, %scan3A_147 = %broadcast_in_dim3A_84) -> (vector<16xf32>, vector<16xf32>, vector<16xf32>, vector<16xf32>, vector<16xi32>, vector<16xi32>, vector<16xi32>, vector<16xi32>)  : i32 {
      %mul3A_148 = arith.constant 8 : i32
      %mul3A_149 = arith.muli %scan3A_139, %mul3A_148 : i32
      %add3A_150 = arith.constant 0 : i32
      %add3A_151 = arith.addi %mul3A_149, %add3A_150 : i32
      %add3A_152 = arith.constant 0 : i32
      %add3A_153 = arith.addi %add3A_151, %add3A_152 : i32
      %mul3A_154 = arith.constant 16 : i32
      %mul3A_155 = arith.muli %add3A_153, %mul3A_154 : i32
      %get3A = arith.index_cast %mul3A_155 : i32 to index
      %get3A_156 = tpu.vector_load %arg5[%get3A] {strides = array<i32>} : memref<32768xf32, #tpu.memory_space<vmem>>, vector<16xf32>,
      %gt3A_157 = arith.cmpf ogt, %get3A_156, %scan3A_140 : vector<16xf32>
      %select_n3A_158 = arith.select %gt3A_157, %get3A_156, %scan3A_140 : vector<16xi1>, vector<16xf32>
      %broadcast_in_dim3A_159 = vector.broadcast %add3A_153 : i32 to vector<16xi32>
      %select_n3A_160 = arith.select %gt3A_157, %broadcast_in_dim3A_159, %scan3A_144 : vector<16xi1>, vector<16xi32>
      %add3A_161 = arith.constant 0 : i32
      %add3A_162 = arith.addi %mul3A_149, %add3A_161 : i32
      %add3A_163 = arith.constant 1 : i32
      %add3A_164 = arith.addi %add3A_162, %add3A_163 : i32
      %mul3A_165 = arith.constant 16 : i32
      %mul3A_166 = arith.muli %add3A_164, %mul3A_165 : i32
      %get3A_167 = arith.index_cast %mul3A_166 : i32 to index
      %get3A_168 = tpu.vector_load %arg5[%get3A_167] {strides = array<i32>} : memref<32768xf32, #tpu.memory_space<vmem>>, vector<16xf32>,
      %gt3A_169 = arith.cmpf ogt, %get3A_168, %scan3A_141 : vector<16xf32>
      %select_n3A_170 = arith.select %gt3A_169, %get3A_168, %scan3A_141 : vector<16xi1>, vector<16xf32>
      %broadcast_in_dim3A_171 = vector.broadcast %add3A_164 : i32 to vector<16xi32>
      %select_n3A_172 = arith.select %gt3A_169, %broadcast_in_dim3A_171, %scan3A_145 : vector<16xi1>, vector<16xi32>
      %add3A_173 = arith.constant 0 : i32
      %add3A_174 = arith.addi %mul3A_149, %add3A_173 : i32
      %add3A_175 = arith.constant 2 : i32
      %add3A_176 = arith.addi %add3A_174, %add3A_175 : i32
      %mul3A_177 = arith.constant 16 : i32
      %mul3A_178 = arith.muli %add3A_176, %mul3A_177 : i32
      %get3A_179 = arith.index_cast %mul3A_178 : i32 to index
      %get3A_180 = tpu.vector_load %arg5[%get3A_179] {strides = array<i32>} : memref<32768xf32, #tpu.memory_space<vmem>>, vector<16xf32>,
      %gt3A_181 = arith.cmpf ogt, %get3A_180, %scan3A_142 : vector<16xf32>
      %select_n3A_182 = arith.select %gt3A_181, %get3A_180, %scan3A_142 : vector<16xi1>, vector<16xf32>
      %broadcast_in_dim3A_183 = vector.broadcast %add3A_176 : i32 to vector<16xi32>
      %select_n3A_184 = arith.select %gt3A_181, %broadcast_in_dim3A_183, %scan3A_146 : vector<16xi1>, vector<16xi32>
      %add3A_185 = arith.constant 0 : i32
      %add3A_186 = arith.addi %mul3A_149, %add3A_185 : i32
      %add3A_187 = arith.constant 3 : i32
      %add3A_188 = arith.addi %add3A_186, %add3A_187 : i32
      %mul3A_189 = arith.constant 16 : i32
      %mul3A_190 = arith.muli %add3A_188, %mul3A_189 : i32
      %get3A_191 = arith.index_cast %mul3A_190 : i32 to index
      %get3A_192 = tpu.vector_load %arg5[%get3A_191] {strides = array<i32>} : memref<32768xf32, #tpu.memory_space<vmem>>, vector<16xf32>,
      %gt3A_193 = arith.cmpf ogt, %get3A_192, %scan3A_143 : vector<16xf32>
      %select_n3A_194 = arith.select %gt3A_193, %get3A_192, %scan3A_143 : vector<16xi1>, vector<16xf32>
      %broadcast_in_dim3A_195 = vector.broadcast %add3A_188 : i32 to vector<16xi32>
      %select_n3A_196 = arith.select %gt3A_193, %broadcast_in_dim3A_195, %scan3A_147 : vector<16xi1>, vector<16xi32>
      %add3A_197 = arith.constant 4 : i32
      %add3A_198 = arith.addi %mul3A_149, %add3A_197 : i32
      %add3A_199 = arith.constant 0 : i32
      %add3A_200 = arith.addi %add3A_198, %add3A_199 : i32
      %mul3A_201 = arith.constant 16 : i32
      %mul3A_202 = arith.muli %add3A_200, %mul3A_201 : i32
      %get3A_203 = arith.index_cast %mul3A_202 : i32 to index
      %get3A_204 = tpu.vector_load %arg5[%get3A_203] {strides = array<i32>} : memref<32768xf32, #tpu.memory_space<vmem>>, vector<16xf32>,
      %gt3A_205 = arith.cmpf ogt, %get3A_204, %select_n3A_158 : vector<16xf32>
      %select_n3A_206 = arith.select %gt3A_205, %get3A_204, %select_n3A_158 : vector<16xi1>, vector<16xf32>
      %broadcast_in_dim3A_207 = vector.broadcast %add3A_200 : i32 to vector<16xi32>
      %select_n3A_208 = arith.select %gt3A_205, %broadcast_in_dim3A_207, %select_n3A_160 : vector<16xi1>, vector<16xi32>
      %add3A_209 = arith.constant 4 : i32
      %add3A_210 = arith.addi %mul3A_149, %add3A_209 : i32
      %add3A_211 = arith.constant 1 : i32
      %add3A_212 = arith.addi %add3A_210, %add3A_211 : i32
      %mul3A_213 = arith.constant 16 : i32
      %mul3A_214 = arith.muli %add3A_212, %mul3A_213 : i32
      %get3A_215 = arith.index_cast %mul3A_214 : i32 to index
      %get3A_216 = tpu.vector_load %arg5[%get3A_215] {strides = array<i32>} : memref<32768xf32, #tpu.memory_space<vmem>>, vector<16xf32>,
      %gt3A_217 = arith.cmpf ogt, %get3A_216, %select_n3A_170 : vector<16xf32>
      %select_n3A_218 = arith.select %gt3A_217, %get3A_216, %select_n3A_170 : vector<16xi1>, vector<16xf32>
      %broadcast_in_dim3A_219 = vector.broadcast %add3A_212 : i32 to vector<16xi32>
      %select_n3A_220 = arith.select %gt3A_217, %broadcast_in_dim3A_219, %select_n3A_172 : vector<16xi1>, vector<16xi32>
      %add3A_221 = arith.constant 4 : i32
      %add3A_222 = arith.addi %mul3A_149, %add3A_221 : i32
      %add3A_223 = arith.constant 2 : i32
      %add3A_224 = arith.addi %add3A_222, %add3A_223 : i32
      %mul3A_225 = arith.constant 16 : i32
      %mul3A_226 = arith.muli %add3A_224, %mul3A_225 : i32
      %get3A_227 = arith.index_cast %mul3A_226 : i32 to index
      %get3A_228 = tpu.vector_load %arg5[%get3A_227] {strides = array<i32>} : memref<32768xf32, #tpu.memory_space<vmem>>, vector<16xf32>,
      %gt3A_229 = arith.cmpf ogt, %get3A_228, %select_n3A_182 : vector<16xf32>
      %select_n3A_230 = arith.select %gt3A_229, %get3A_228, %select_n3A_182 : vector<16xi1>, vector<16xf32>
      %broadcast_in_dim3A_231 = vector.broadcast %add3A_224 : i32 to vector<16xi32>
      %select_n3A_232 = arith.select %gt3A_229, %broadcast_in_dim3A_231, %select_n3A_184 : vector<16xi1>, vector<16xi32>
      %add3A_233 = arith.constant 4 : i32
      %add3A_234 = arith.addi %mul3A_149, %add3A_233 : i32
      %add3A_235 = arith.constant 3 : i32
      %add3A_236 = arith.addi %add3A_234, %add3A_235 : i32
      %mul3A_237 = arith.constant 16 : i32
      %mul3A_238 = arith.muli %add3A_236, %mul3A_237 : i32
      %get3A_239 = arith.index_cast %mul3A_238 : i32 to index
      %get3A_240 = tpu.vector_load %arg5[%get3A_239] {strides = array<i32>} : memref<32768xf32, #tpu.memory_space<vmem>>, vector<16xf32>,
      %gt3A_241 = arith.cmpf ogt, %get3A_240, %select_n3A_194 : vector<16xf32>
      %select_n3A_242 = arith.select %gt3A_241, %get3A_240, %select_n3A_194 : vector<16xi1>, vector<16xf32>
      %broadcast_in_dim3A_243 = vector.broadcast %add3A_236 : i32 to vector<16xi32>
      %select_n3A_244 = arith.select %gt3A_241, %broadcast_in_dim3A_243, %select_n3A_196 : vector<16xi1>, vector<16xi32>
      scf.yield %select_n3A_206, %select_n3A_218, %select_n3A_230, %select_n3A_242, %select_n3A_208, %select_n3A_220, %select_n3A_232, %select_n3A_244 : vector<16xf32>, vector<16xf32>, vector<16xf32>, vector<16xf32>, vector<16xi32>, vector<16xi32>, vector<16xi32>, vector<16xi32>
    }
    %scan3A_90 = arith.constant 256 : i32
    %gt3A_91 = arith.cmpf ogt, %scan3A_89#0, %scan3A_89#1 : vector<16xf32>
    %eq3A_92 = arith.cmpf oeq, %scan3A_89#0, %scan3A_89#1 : vector<16xf32>
    %lt3A_93 = arith.cmpi slt, %scan3A_89#4, %scan3A_89#5 : vector<16xi32>
    %and3A_94 = arith.andi %eq3A_92, %lt3A_93 : vector<16xi1>
    %or3A_95 = arith.ori %gt3A_91, %and3A_94 : vector<16xi1>
    %select_n3A_96 = arith.select %or3A_95, %scan3A_89#0, %scan3A_89#1 : vector<16xi1>, vector<16xf32>
    %select_n3A_97 = arith.select %or3A_95, %scan3A_89#4, %scan3A_89#5 : vector<16xi1>, vector<16xi32>
    %gt3A_98 = arith.cmpf ogt, %scan3A_89#2, %scan3A_89#3 : vector<16xf32>
    %eq3A_99 = arith.cmpf oeq, %scan3A_89#2, %scan3A_89#3 : vector<16xf32>
    %lt3A_100 = arith.cmpi slt, %scan3A_89#6, %scan3A_89#7 : vector<16xi32>
    %and3A_101 = arith.andi %eq3A_99, %lt3A_100 : vector<16xi1>
    %or3A_102 = arith.ori %gt3A_98, %and3A_101 : vector<16xi1>
    %select_n3A_103 = arith.select %or3A_102, %scan3A_89#2, %scan3A_89#3 : vector<16xi1>, vector<16xf32>
    %select_n3A_104 = arith.select %or3A_102, %scan3A_89#6, %scan3A_89#7 : vector<16xi1>, vector<16xi32>
    %gt3A_105 = arith.cmpf ogt, %select_n3A_96, %select_n3A_103 : vector<16xf32>
    %eq3A_106 = arith.cmpf oeq, %select_n3A_96, %select_n3A_103 : vector<16xf32>
    %lt3A_107 = arith.cmpi slt, %select_n3A_97, %select_n3A_104 : vector<16xi32>
    %and3A_108 = arith.andi %eq3A_106, %lt3A_107 : vector<16xi1>
    %or3A_109 = arith.ori %gt3A_105, %and3A_108 : vector<16xi1>
    %select_n3A_110 = arith.select %or3A_109, %select_n3A_96, %select_n3A_103 : vector<16xi1>, vector<16xf32>
    %select_n3A_111 = arith.select %or3A_109, %select_n3A_97, %select_n3A_104 : vector<16xi1>, vector<16xi32>
    %reduce_max3A_112 = arith.constant true
    %reduce_max3A_113 = vector.broadcast %reduce_max3A_112 : i1 to vector<16xi1>
    %reduce_max3A_114 = tpu.scan <max>, %select_n3A_110 masked %reduce_max3A_113 : vector<16xf32>, vector<16xi1> -> vector<16xf32>
    %reduce_max3A_115 = vector.extract %reduce_max3A_114[15] : f32 from vector<16xf32>
    %mul3A_116 = arith.constant 16 : i32
    %mul3A_117 = vector.broadcast %mul3A_116 : i32 to vector<16xi32>
    %mul3A_118 = arith.muli %select_n3A_111, %mul3A_117 : vector<16xi32>
    %add3A_119 = arith.addi %mul3A_118, %iota3A : vector<16xi32>
    %eq3A_120 = vector.broadcast %reduce_max3A_115 : f32 to vector<16xf32>
    %eq3A_121 = arith.cmpf oeq, %select_n3A_110, %eq3A_120 : vector<16xf32>
    %jit3A_122 = arith.constant 2147483647 : i32
    %broadcast_in_dim3A_123 = vector.broadcast %jit3A_122 : i32 to vector<16xi32>
    %select_n3A_124 = arith.select %eq3A_121, %add3A_119, %broadcast_in_dim3A_123 : vector<16xi1>, vector<16xi32>
    %reduce_min3A_125 = arith.constant true
    %reduce_min3A_126 = vector.broadcast %reduce_min3A_125 : i1 to vector<16xi1>
    %reduce_min3A_127 = arith.constant -2147483648 : i32
    %reduce_min3A_128 = vector.broadcast %reduce_min3A_127 : i32 to vector<16xi32>
    %reduce_min3A_129 = arith.xori %select_n3A_124, %reduce_min3A_128 : vector<16xi32>
    %reduce_min3A_130 = tpu.scan <min>, %reduce_min3A_129 masked %reduce_min3A_126 : vector<16xi32>, vector<16xi1> -> vector<16xi32>
    %reduce_min3A_131 = arith.xori %reduce_min3A_130, %reduce_min3A_128 : vector<16xi32>
    %reduce_min3A_132 = vector.extract %reduce_min3A_131[15] : i32 from vector<16xi32>
    %eq3A_133 = arith.constant 1 : i32
    %eq3A_134 = vector.broadcast %eq3A_133 : i32 to vector<16xi32>
    %eq3A_135 = arith.cmpi eq, %iota3A, %eq3A_134 : vector<16xi32>
    %broadcast_in_dim3A_136 = vector.broadcast %reduce_min3A_132 : i32 to vector<16xi32>
    %select_n3A_137 = arith.select %eq3A_135, %broadcast_in_dim3A_136, %select_n3A_72 : vector<16xi1>, vector<16xi32>
    %swap3A = arith.constant 0 : index
    %swap3A_138 = tpu.vector_load %arg6[%swap3A] {strides = array<i32>} : memref<16xi32, #tpu.memory_space<vmem>>, vector<16xi32>,
    tpu.vector_store %arg6[%swap3A], %select_n3A_137 {strides = array<i32>} : memref<16xi32, #tpu.memory_space<vmem>>, vector<16xi32>,
    "tpu.region"() ({
      %run_scoped3A = tpu.sem_alloc : memref<!tpu.dma_semaphore, #tpu.memory_space<semaphore_mem>>
      %dma_start3A_139 = arith.constant 0 : i32
      %dma_start3A_140 = tpu.memref_slice %arg3[%add3A, %dma_start3A_139] : memref<32x16xi32, #tpu.memory_space<hbm>> -> memref<1x16xi32, #tpu.memory_space<hbm>>
      %dma_start3A_141 = tpu.memref_squeeze %dma_start3A_140 : memref<1x16xi32, #tpu.memory_space<hbm>> -> memref<16xi32, #tpu.memory_space<hbm>>
      %dma_start3A_142 = arith.constant 0 : i32
      %dma_start3A_143 = tpu.memref_slice %arg3[%add3A, %dma_start3A_142] : memref<32x16xi32, #tpu.memory_space<hbm>> -> memref<1x16xi32, #tpu.memory_space<hbm>>
      %dma_start3A_144 = tpu.memref_squeeze %dma_start3A_143 : memref<1x16xi32, #tpu.memory_space<hbm>> -> memref<16xi32, #tpu.memory_space<hbm>>
      tpu.enqueue_dma source(%arg6 : memref<16xi32, #tpu.memory_space<vmem>>) target(%dma_start3A_144 : memref<16xi32, #tpu.memory_space<hbm>>) target_semaphore(%run_scoped3A : memref<!tpu.dma_semaphore, #tpu.memory_space<semaphore_mem>>)
      %dma_wait3A_145 = arith.constant 0 : i32
      %dma_wait3A_146 = tpu.memref_slice %arg3[%add3A, %dma_wait3A_145] : memref<32x16xi32, #tpu.memory_space<hbm>> -> memref<1x16xi32, #tpu.memory_space<hbm>>
      %dma_wait3A_147 = tpu.memref_squeeze %dma_wait3A_146 : memref<1x16xi32, #tpu.memory_space<hbm>> -> memref<16xi32, #tpu.memory_space<hbm>>
      %dma_wait3A_148 = arith.constant 0 : i32
      %dma_wait3A_149 = tpu.memref_slice %arg3[%add3A, %dma_wait3A_148] : memref<32x16xi32, #tpu.memory_space<hbm>> -> memref<1x16xi32, #tpu.memory_space<hbm>>
      %dma_wait3A_150 = tpu.memref_squeeze %dma_wait3A_149 : memref<1x16xi32, #tpu.memory_space<hbm>> -> memref<16xi32, #tpu.memory_space<hbm>>
      tpu.wait_dma2 semaphore(%run_scoped3A : memref<!tpu.dma_semaphore, #tpu.memory_space<semaphore_mem>>) src(%arg6 : memref<16xi32, #tpu.memory_space<vmem>>) dst(%dma_wait3A_150 : memref<16xi32, #tpu.memory_space<hbm>>)
      tpu.yield
    }) : () -> ()
    return
  }
}

module attributes {stable_mosaic.version = 14 : i64} {
  func.func @_argmax_tc_block(%arg0: i32, %arg1: memref<16x32768xf32, #tpu.memory_space<vmem>>, %arg2: memref<16x1xi32, #tpu.memory_space<vmem>>) attributes {dimension_semantics = [#tpu.dimension_semantics<arbitrary>], iteration_bounds = array<i64: 4>, scalar_prefetch = 0 : i64, scratch_operands = 0 : i64, tpu.core_type = #tpu.core_type<tc>, window_params = [{transform_indices = @transform_0, window_bounds = array<i64: 16, 32768>}, {transform_indices = @transform_1, window_bounds = array<i64: 16, 1>}]} {
    %get3A = arith.constant 0 : index
    %get3A_0 = arith.constant 0 : index
    %get3A_1 = vector.load %arg1[%get3A, %get3A_0] : memref<16x32768xf32, #tpu.memory_space<vmem>>, vector<16x32768xf32>
    %reduce_max3A = arith.constant dense<0xFF800000> : vector<16xf32>
    %reduce_max3A_2 = vector.multi_reduction <maximumf>, %get3A_1, %reduce_max3A [1] : vector<16x32768xf32> to vector<16xf32>
    %broadcast_in_dim3A = vector.shape_cast %reduce_max3A_2 : vector<16xf32> to vector<16x1xf32>
    %iota3A = tpu.iota {dimensions = array<i32: 1>} : vector<16x32768xi32>
    %eq3A = vector.broadcast %broadcast_in_dim3A : vector<16x1xf32> to vector<16x32768xf32>
    %eq3A_3 = arith.cmpf oeq, %get3A_1, %eq3A : vector<16x32768xf32>
    %jit3A = arith.constant 2147483647 : i32
    %broadcast_in_dim3A_4 = vector.broadcast %jit3A : i32 to vector<16x32768xi32>
    %select_n3A = arith.select %eq3A_3, %iota3A, %broadcast_in_dim3A_4 : vector<16x32768xi1>, vector<16x32768xi32>
    %reduce_min3A = arith.constant dense<2147483647> : vector<16xi32>
    %reduce_min3A_5 = vector.multi_reduction <minsi>, %select_n3A, %reduce_min3A [1] : vector<16x32768xi32> to vector<16xi32>
    %broadcast_in_dim3A_6 = vector.shape_cast %reduce_min3A_5 : vector<16xi32> to vector<16x1xi32>
    %swap3A = arith.constant 0 : index
    %swap3A_7 = arith.constant 0 : index
    %swap3A_8 = vector.load %arg2[%swap3A, %swap3A_7] : memref<16x1xi32, #tpu.memory_space<vmem>>, vector<16x1xi32>
    tpu.vector_store %arg2[%swap3A, %swap3A_7], %broadcast_in_dim3A_6 {strides = array<i32>} : memref<16x1xi32, #tpu.memory_space<vmem>>, vector<16x1xi32>,
    return
  }
  func.func @transform_0(%arg0: i32) -> (i32, i32) {
    %add3A = arith.constant 4 : i32
    %add3A_0 = arith.addi %arg0, %add3A : i32
    %c0_i32 = arith.constant 0 : i32
    %c0_i32_1 = arith.constant 0 : i32
    return %add3A_0, %c0_i32 : i32, i32
  }
  func.func @transform_1(%arg0: i32) -> (i32, i32) {
    %add3A = arith.constant 4 : i32
    %add3A_0 = arith.addi %arg0, %add3A : i32
    %c0_i32 = arith.constant 0 : i32
    %c0_i32_1 = arith.constant 0 : i32
    return %add3A_0, %c0_i32 : i32, i32
  }
}

</mosaic_0001>

<sc_bundles>
// kernel: kernel.4.cloned.1.call-start
scs
__scs_entry_jumppad:
0x0: {  	(pc) =	sbr.rel $0x88, $3  }
0x1: {  	(tag) =	ssettag $0x0;
	lr =	simm.s32 $0x1  }
0x2: {  	[smem:$0x3FA0] =	sst lr;
	_ =	strace $0xD0000000  }
0x3: {  	_ = 	snop  }
0x4: {  	_ = 	snop  }
0x5: {  	_ = 	snop  }
0x6: {  	_ = 	snop  }
0x7: {  	_ = 	snop  }
__scs_overlays_trampoline_lowered:
0x8: {  	[smem:$0x3FAF] =	sst s0  }
0x9: {  	[smem:$0x3FB0] =	sst s1  }
0xa: {  	[smem:$0x3FB1] =	sst s2  }
0xb: {  	[smem:$0x3FB2] =	sst s3  }
0xc: {  	[smem:$0x3FB3] =	sst s4  }
0xd: {  	[smem:$0x3FB4] =	sst s5  }
0xe: {  	[smem:$0x3FB5] =	sst s6  }
0xf: {  	[smem:$0x3FB6] =	sst s7  }
0x10: {  	[smem:$0x3FB7] =	sst s8  }
0x11: {  	[smem:$0x3FB8] =	sst s9;
	s0 =	simm.s32 @!p0 $0x0  }
0x12: {  	s1 =	sld [smem:$0x3F9E];
	s0 =	simm.s32 @p0 $0x1  }
0x13: {  	[smem:$0x3FB9] =	sst s0;
	s0 =	simm.s32 @!p1 $0x0  }
0x14: {  	s2 =	sld [smem:$0x3F9D];
	s0 =	simm.s32 @p1 $0x1  }
0x15: {  	[smem:$0x3FBA] =	sst s0;
	s0 =	simm.s32 @!p2 $0x0  }
0x16: {  	s3 =	sld [smem:$0x3FDB];
	s0 =	simm.s32 @p2 $0x1  }
0x17: {  	s4 =	simm.s32 $0x1BF5;
	[smem:$0x3FBC] =	sst s0  }
0x18: {  	s0 =	sld [smem:$0x3F9F];
	_ =	swait.ge [sflag:s4], $0x0  }
0x19: {  	s7 =	sld [smem:$0x3FA0]  }
0x1a: {  	s8 =	sadd.s32 $0xFFFFE003, lr  }
0x1b: {  	s9 =	sadd.s32 $0xFFFFFEF7, lr;
	s5 =	simm.s32 $0xFFFFFFFF;
	p2 =	slt.u32 s8, $0xFFFFF086  }
0x1c: {  	p1 =	slt.u32 s9, $0xF7A;
	s5 =	simm.s32 @!p2 $0x0  }
0x1d: {  	s5 =	simm.s32 @p1 $0x1;
	p0 =	seq.s32 s7, s2  }
0x1e: {  	s7 =	smul.u32 @!p0 $0xF7A, s2;
	p2 =	seq.s32 @!p0 s5, $0x0  }
0x1f: {  	s9 =	smul.u32 $0xF7A, s1;
	s8 =	simm.s32 @!p0 $0x1BF5;
	p2 =	por !p2, p0  }
0x20: {  	[sflag:s8] =	ssyncset.s32 @!p0 $0xFFFFF086;
	s6 =	sadd.s32 @!p0 s3, s7;
	s7 =	simm.s32 @!p0 $0x108  }
0x21: {  	s3 =	sadd.s32 s3, s9;
	s6 =	sadd.s32 @!p0 $0x88, s6;
	s7 =	simm.s32 @p2 $0x1082  }
0x22: {  	[simem:s7], [sflag:s8] =	dma.local @!p0 [hbm:s6], $0xF7A  }
0x23: {  	s9 =	sor.u32 $0xD0000000, s2;
	s6 =	simm.s32 $0x108;
	_ =	swait.ge @!p0 [sflag:s8], $0x0  }
0x24: {  	s3 =	sadd.s32 $0x88, s3;
	s6 =	simm.s32 @!p1 $0x1082;
	[sflag:s4] =	ssyncset.s32 $0xFFFFF086  }
0x25: {  	[simem:s6], [sflag:s4] =	dma.local [hbm:s3], $0xF7A  }
0x26: {  	[smem:$0x3FA0] =	sst s1;
	(tag) =	ssettag s2;
	_ =	strace s9  }
0x27: {  	s1 =	sld [smem:$0x3FB0]  }
0x28: {  	s2 =	sld [smem:$0x3FB1]  }
0x29: {  	s4 =	sld [smem:$0x3FB3]  }
0x2a: {  	p0 =	seq.s32 s5, $0x0;
	s5 =	sld [smem:$0x3FB4]  }
0x2b: {  	s6 =	sld [smem:$0x3FB5]  }
0x2c: {  	s7 =	sld [smem:$0x3FB6]  }
0x2d: {  	s3 =	simm.s32 $0x108;
	s8 =	sld [smem:$0x3FB7]  }
0x2e: {  	s3 =	simm.s32 @!p0 $0x1082;
	s9 =	sld [smem:$0x3FB8]  }
0x2f: {  	lr =	sadd.s32 s0, s3;
	s0 =	sld [smem:$0x3FAF]  }
0x30: {  	s3 =	sld [smem:$0x3FB2]  }
0x31: {  	[smem:$0x3FBB] =	sst s10  }
0x32: {  	s10 =	sld [smem:$0x3FB9];
	_ =	sdelay $0x3  }
0x33: {  	p0 =	seq.s32 s10, $0x1;
	s10 =	sld [smem:$0x3FBB];
	_ =	sdelay $0x3  }
0x34: {  	[smem:$0x3FBB] =	sst s10  }
0x35: {  	s10 =	sld [smem:$0x3FBA];
	_ =	sdelay $0x3  }
0x36: {  	p1 =	seq.s32 s10, $0x1;
	s10 =	sld [smem:$0x3FBB];
	_ =	sdelay $0x3  }
0x37: {  	[smem:$0x3FBB] =	sst s10  }
0x38: {  	s10 =	sld [smem:$0x3FBC]  }
0x39: {  	_ = 	snop;
	(pc) =	sbr.ind lr, $3  }
0x3a: {  	_ = 	snop  }
0x3b: {  	_ = 	snop  }
0x3c: {  	p2 =	seq.s32 s10, $0x1;
	s10 =	sld [smem:$0x3FBB]  }
0x3d: {  	_ =	shalt  }
0x3e: {  	_ =	shalt  }
0x3f: {  	_ =	shalt  }
0x40: {  	_ =	shalt  }
0x41: {  	_ =	shalt  }
0x42: {  	_ =	shalt  }
0x43: {  	_ =	shalt  }
0x44: {  	_ =	shalt  }
0x45: {  	_ =	shalt  }
0x46: {  	_ =	shalt  }
0x47: {  	_ =	shalt  }
0x48: {  	_ =	shalt  }
0x49: {  	_ =	shalt  }
0x4a: {  	_ =	shalt  }
0x4b: {  	_ =	shalt  }
0x4c: {  	_ =	shalt  }
0x4d: {  	_ =	shalt  }
0x4e: {  	_ =	shalt  }
0x4f: {  	_ =	shalt  }
0x50: {  	_ =	shalt  }
0x51: {  	_ =	shalt  }
0x52: {  	_ =	shalt  }
0x53: {  	_ =	shalt  }
0x54: {  	_ =	shalt  }
0x55: {  	_ =	shalt  }
0x56: {  	_ =	shalt  }
0x57: {  	_ =	shalt  }
0x58: {  	_ =	shalt  }
0x59: {  	_ =	shalt  }
0x5a: {  	_ =	shalt  }
0x5b: {  	_ =	shalt  }
0x5c: {  	_ =	shalt  }
0x5d: {  	_ =	shalt  }
0x5e: {  	_ =	shalt  }
0x5f: {  	_ =	shalt  }
0x60: {  	_ =	shalt  }
0x61: {  	_ =	shalt  }
0x62: {  	_ =	shalt  }
0x63: {  	_ =	shalt  }
0x64: {  	_ =	shalt  }
0x65: {  	_ =	shalt  }
0x66: {  	_ =	shalt  }
0x67: {  	_ =	shalt  }
0x68: {  	_ =	shalt  }
0x69: {  	_ =	shalt  }
0x6a: {  	_ =	shalt  }
0x6b: {  	_ =	shalt  }
0x6c: {  	_ =	shalt  }
0x6d: {  	_ =	shalt  }
0x6e: {  	_ =	shalt  }
0x6f: {  	_ =	shalt  }
0x70: {  	_ =	shalt  }
0x71: {  	_ =	shalt  }
0x72: {  	_ =	shalt  }
0x73: {  	_ =	shalt  }
0x74: {  	_ =	shalt  }
0x75: {  	_ =	shalt  }
0x76: {  	_ =	shalt  }
0x77: {  	_ =	shalt  }
0x78: {  	_ =	shalt  }
0x79: {  	_ =	shalt  }
0x7a: {  	_ =	shalt  }
0x7b: {  	_ =	shalt  }
0x7c: {  	_ =	shalt  }
0x7d: {  	_ =	shalt  }
0x7e: {  	_ =	shalt  }
0x7f: {  	_ =	shalt  }
0x80: {  	_ =	shalt  }
0x81: {  	_ =	shalt  }
0x82: {  	_ =	shalt  }
0x83: {  	_ =	shalt  }
0x84: {  	_ =	shalt  }
0x85: {  	_ =	shalt  }
0x86: {  	_ =	shalt  }
0x87: {  	_ =	shalt  }
.Lfunc_end0:
.L_simem_size_0:
called_computation_lowered:
.L_overlay_start_0:
0x88: {  	s2 =	sld [smem:$0x3FD9]  }
0x89: {  	s3 =	sld [smem:$0x3FFE];
	_ =	sdelay $0x1  }
0x8a: {  	s1 =	srdreg.scid  }
0x8b: {  	s0 =	sand.u32 $0x1, s1  }
0x8c: {  	s17 =	sshll.u32 s0, $0xA;
	s2 =	sadd.s32 s3, s2  }
0x8d: {  	s2 =	sadd.s32 s2, s17  }
0x8e: {  	[smem:$0x3FC7] =	sst s2  }
0x8f: {  	_ = 	snop  }
0x90: {  	s2 =	sld [smem:$0x3FC9];
	(tm) =	ssettm $0x1  }
0x91: {  	s18 =	sld [smem:$0x3FFB];
	_ =	sdelay $0x3  }
0x92: {  	_ =	strace s18  }
0x93: {  	s3 =	sld [smem:$0x3FFC];
	_ =	sdelay $0x3  }
0x94: {  	_ =	strace s3  }
0x95: {  	s3 =	sld [smem:$0x3FFD];
	_ =	sdelay $0x3  }
0x96: {  	_ =	strace s3  }
0x97: {  	_ =	strace $0x8FFFFFFF  }
0x98: {  	s19 =	sld [smem:$0x3FDB];
	_ =	sdelay $0x1  }
0x99: {  	s4 =	simm.s32 $_scs_section_size  }
0x9a: {  	s5 =	simm.s32 $_size__tile_overlayer_lowered;
	s6 =	simm.s32 $_tile_overlayer_lowered  }
0x9b: {  	s22 =	simm.s32 $0x1BFF;
	s21 =	sshll.u32 s6, $0x1;
	s3 =	sadd.s32 s4, s19  }
0x9c: {  	s7 =	simm.s32 $0x0;
	s20 =	sshll.u32 s5, $0x1;
	s5 =	sadd.s32 s21, s3  }
0x9d: {  	[timem:s7], [sflag:s22] =	dma.local [hbm:s5], s20  }
0x9e: {  	_ =	swait.ge [sflag:s22], s20  }
0x9f: {  	s4 =	ssub.s32 $0x0, s20;
	[sflag:s22] =	ssyncset.done $0x0  }
0xa0: {  	[sflag:s22] =	ssyncadd.s32 s4;
	_ =	sdelay $0x1  }
0xa1: {  	s23 =	simm.s32 $0x1B8B  }
0xa2: {  	_ =	swait.ge [sflag:s23], $0x1  }
0xa3: {  	[sflag:s23] =	ssyncset.done $0x0  }
0xa4: {  	s25 =	simm.s32 $0x1B8E;
	s24 =	sld [smem:$0x3FFE];
	[sflag:s23] =	ssyncadd.s32 $0xFFFFFFFF  }
0xa5: {  	s26 =	simm.s32 $execute0_lowered;
	[smem:$0x3FD2] =	sst s25  }
0xa6: {  	s5 =	sshll.u32 s26, $0x1;
	_ =	strace $0x80000046;
	[dreg:$0x1] =	wrdreg $0xFFFFFFFF  }
0xa7: {  	s28 =	simm.s32 $_size_execute0_lowered;
	s3 =	sadd.s32 s3, s5;
	[dreg:$0x0] =	wrdreg $0x0  }
0xa8: {  	s5 =	sshll.u32 s28, $0x1;
	[dreg:$0x2] =	wrdreg s3  }
0xa9: {  	[dreg:$0x3] =	wrdreg s5  }
0xaa: {  	[dreg:$0x4] =	wrdreg $0xC0  }
0xab: {  	_ =	task [dreg:s7], $0x5FFFF  }
0xac: {  	[dreg:$0x1] =	wrdreg $0xFFFFFFFF  }
0xad: {  	[dreg:$0x0] =	wrdreg $0x60  }
0xae: {  	[dreg:$0x2] =	wrdreg s2  }
0xaf: {  	[dreg:$0x3] =	wrdreg s24  }
0xb0: {  	[dreg:$0x4] =	wrdreg $0x9  }
0xb1: {  	_ =	task.clear_ibuf [dreg:s7], $0x5FFFF;
	_ =	strace $0x90000046  }
0xb2: {  	s29 =	simm.s32 $0x9;
	_ =	strace $0x80000048  }
0xb3: {  	_ =	swait.ge [sflag:s29], $0x1  }
0xb4: {  	[sflag:s29] =	ssyncadd.s32 $0xFFFFFFFF  }
0xb5: {  	_ =	strace $0x90000048  }
0xb6: {  	_ =	sfence  }
0xb7: {  	s30 =	sld [smem:$0x0];
	_ =	sdelay $0x2  }
0xb8: {  	s31 =	sshll.u32 s1, $0xD;
	s1 =	sshrl.u32 s1, $0x2  }
0xb9: {  	s3 =	sand.u32 $0x4000, s31;
	s1 =	sadd.s32 s1, s30  }
0xba: {  	s0 =	sor.u32 s3, s0;
	s1 =	sshll.u32 s1, $0x11  }
0xbb: {  	s0 =	sor.u32 s1, s0  }
0xbc: {  	s0 =	sadd.s32 $0x8F2B, s0  }
0xbd: {  	[sflag:s0] =	ssyncadd.remote.s32 $0x1  }
0xbe: {  	_ =	sfence.sel $0xFFFF  }
0xbf: {  	[dreg:$0x0] =	wrdreg $0xFFFFFFFF;
	(pc) =	sbr.abs _section_cstart, $3  }
0xc0: {  	[dreg:$0x1] =	wrdreg $0xFFFFFFFF  }
0xc1: {  	_ =	task.clear_ibuf [dreg:s7], $0x2FFFF;
	_ =	strace $0x9FFFFFFF  }
0xc2: {  	(tm) =	ssettm $0x7FFFFFFF  }
0xc3: {  	_ =	shalt  }
tec
execute0_lowered:
.L_overlay_start_1:
0x0: {  	(tag) =	ssettag $0x1  }
0x1: {  	s3 =	rddreg [dreg:$0x0];
	s1 =	srdreg.scid  }
0x2: {  	s0 =	stileid.u32;
	s4 =	rddreg [dreg:$0x1];
	s2 =	simm.s32 $0x0  }
0x3: {  	s9 =	simm.s32 $0x1;
	s10 =	simm.s32 $0x8000;
	s11 =	simm.s32 $0x2  }
0x4: {  	s12 =	simm.s32 $0x10000;
	s13 =	simm.s32 $0x3;
	s14 =	simm.s32 $0x0  }
0x5: {  	s5 =	sand.u32 $0x1, s1;
	s6 =	sshll.u32 s0, $0x1;
	s1 =	rddreg [dreg:$0x2]  }
0x6: {  	[smem:$0x7FF] =	sst s2;
	s7 =	sshll.u32 s0, $0xE;
	s6 =	sor.u32 s5, s6  }
0x7: {  	_ =	strace $0x80000047;
	s5 =	ssub.s32 $0x2, s5;
	s8 =	sshll.u32 s6, $0x5  }
0x8: {  	s6 =	sshll.u32 s6, $0x4;
	s30 =	sshrl.u32 s5, $0x1;
	s7 =	sor.u32 s7, s8  }
0x9: {  	s6 =	sadd.s32 s6, s4;
	s31 =	ssub.s32 s5, s30;
	s7 =	sand.u32 $0x38060, s7  }
0xa: {  	v0 =	vlaneseq.u32;
	s8 =	simm.s32 $0x400;
	s5 =	sadd.s32 $0x600, s6;
	s3 =	sadd.s32 s3, s7  }
0xb: {  	vm0 =	vcmask $0x300;
	vm1 =	vcmask $0x704;
	v0 =	vor.u32 $0x80000000, v0;
	s6 =	smax.u32 s31, $0x1;
	s7 =	simm.s32 $0x80;
	s4 =	sadd.s32 $0x10, s3  }
.LBB2_1:
0xc: {  	[tilespmem:s2], [sflag:$0x1] =	stream.strided.gather [hbm4b:s3+s7], $0x8000, s8, s7, $0x38;
	[tilespmem:$0x10080] =	vst v63  }
0xd: {  	_ =	swait.ge [sflag:s9], $0x8000  }
0xe: {  	[sflag:s9] =	ssyncset.done $0x0  }
0xf: {  	s15 =	simm.s32 $0x40;
	[sflag:s9] =	ssyncadd.s32 $0xFFFF8000  }
0x10: {  	[tilespmem:s10], [sflag:$0x2] =	stream.strided.gather [hbm4b:s4+s7], $0x8000, s8, s7, $0x38;
	[tilespmem:$0x10080] =	vst v63  }
0x11: {  	v1 =	vld [tilespmem:s15+$0xFFFFFFC0]  }
0x12: {  	v3 =	vld [tilespmem:s15+$0x0]  }
0x13: {  	v8 =	vld [tilespmem:s15+$0xFFFFFFE0]  }
0x14: {  	v10 =	vld [tilespmem:s15+$0xFFFFFFF0]  }
0x15: {  	v5 =	vld [tilespmem:s15+$0xFFFFFFD0]  }
0x16: {  	v13 =	vld [tilespmem:s15+$0x20]  }
0x17: {  	v7 =	vimm.f32 $-Inf;
	v14 =	vld [tilespmem:s15+$0x30]  }
0x18: {  	v2 =	vimm.s32 $0x0;
	s17 =	simm.s32 $0x0;
	s16 =	simm.s32 $0xC0;
	v6 =	vld [tilespmem:s15+$0x10];
	vm2 =	vgt.f32 v1, v7;
	vm4 =	vgt.f32 v8, v7  }
0x19: {  	v9 =	vld [tilespmem:s16+$0x0];
	vm5 =	vgt.f32 v10, v7;
	v1 =	vsel vm2, v1, v7;
	v4 =	vsel vm2, s17, v2  }
0x1a: {  	s31 =	simm.s32 $0x4;
	v11 =	vld [tilespmem:s16+$0xFFFFFFC0];
	vm2 =	vgt.f32 v5, v7;
	v16 =	vsel vm4, v8, v7;
	vm3 =	vgt.f32 v3, v1  }
0x1b: {  	v10 =	vsel vm5, v10, v7;
	v12 =	vsel vm3, v3, v1;
	v1 =	vsel vm3, s31, v4;
	v4 =	vld [tilespmem:s16+$0x10]  }
0x1c: {  	v15 =	vsel vm2, v5, v7;
	vm6 =	vgt.f32 v13, v16;
	v5 =	vld [tilespmem:s16+$0xFFFFFFE0];
	vm7 =	vgt.f32 v14, v10  }
0x1d: {  	s18 =	simm.s32 $0x17;
	s19 =	simm.s32 $0x2;
	v3 =	vld [tilespmem:s16+$0xFFFFFFD0];
	vm3 =	vgt.f32 v6, v15;
	v7 =	vsel vm6, v13, v16;
	v10 =	vsel vm7, v14, v10  }
0x1e: {  	s20 =	simm.s32 $0x3;
	s15 =	simm.s32 $0xF;
	s17 =	simm.s32 $0x7;
	v14 =	vimm.s32 $0x0;
	v13 =	vimm.s32 $0x0;
	v8 =	vsel vm3, v6, v15;
	v6 =	vld [tilespmem:s16+$0xFFFFFFF0]  }
.LBB2_2:
0x1f: {  	p0 =	sne.s32 s18, $0x7FF;
	vm8 =	vgt.f32 v11, v12;
	v15 =	vld [tilespmem:s16+$0x20];
	v2 =	vsel vm4, s19, v2;
	v14 =	vsel vm5, s20, v14;
	s19 =	sadd.s32 $0xFFFFFFFF, s17  }
0x20: {  	s20 =	sadd.s32 $0xFFFFFFF9, s15;
	s21 =	sadd.s32 $0xFFFFFFFA, s17;
	v12 =	vsel vm8, v11, v12;
	v16 =	vld [tilespmem:s16+$0x30];
	s16 =	sadd.s32 $0x80, s16;
	v2 =	vsel vm6, s19, v2;
	v14 =	vsel vm7, s17, v14;
	v17 =	vmovc v4  }
0x21: {  	v1 =	vsel vm8, s20, v1;
	s19 =	sadd.s32 $0xFFFFFFFD, s15;
	v4 =	vsel vm2, s21, v13;
	s20 =	sadd.s32 $0xFFFFFFFE, s17;
	s17 =	smov.u32 s15;
	v18 =	vld [tilespmem:s16+$0x0];
	vm4 =	vgt.f32 v9, v12  }
.Ltmp0:
0x22: {  	s15 =	smov.u32 s18;
	v13 =	vsel vm3, s20, v4;
	v11 =	vld [tilespmem:s16+$0xFFFFFFC0];
	v12 =	vsel vm4, v9, v12;
	v1 =	vsel vm4, s19, v1;
	(pc) =	sbr.rel @p0 .LBB2_2-.Ltmp0, $4  }
0x23: {  	vm2 =	vgt.f32 v3, v8;
	vm4 =	vgt.f32 v5, v7;
	v4 =	vld [tilespmem:s16+$0x10];
	vm5 =	vgt.f32 v6, v10  }
0x24: {  	v8 =	vsel vm2, v3, v8;
	v7 =	vsel vm4, v5, v7;
	v3 =	vld [tilespmem:s16+$0xFFFFFFD0];
	v19 =	vsel vm5, v6, v10  }
0x25: {  	vm3 =	vgt.f32 v17, v8;
	vm6 =	vgt.f32 v15, v7;
	v5 =	vld [tilespmem:s16+$0xFFFFFFE0];
	vm7 =	vgt.f32 v16, v19  }
0x26: {  	s18 =	sadd.s32 $0x8, s18;
	s20 =	sadd.s32 $0xFFFFFFFC, s17;
	s19 =	sadd.s32 $0xFFFFFFFB, s17;
	v8 =	vsel vm3, v17, v8;
	v7 =	vsel vm6, v15, v7;
	v6 =	vld [tilespmem:s16+$0xFFFFFFF0];
	v10 =	vsel vm7, v16, v19;
	v9 =	vmovc v18  }
0x27: {  	v15 =	vld [tilespmem:s16+$0x20];
	vm8 =	vgt.f32 v11, v12  }
0x28: {  	v16 =	vld [tilespmem:s16+$0x30];
	v2 =	vsel vm4, s19, v2;
	v14 =	vsel vm5, s20, v14;
	s19 =	sadd.s32 $0xFFFFFFFF, s17;
	s18 =	sadd.s32 $0xFFFFFFF9, s15;
	_ =	swait.ge [sflag:s11], $0x8000;
	v11 =	vsel vm8, v11, v12  }
0x29: {  	s20 =	sadd.s32 $0xFFFFFFFA, s17;
	s21 =	sadd.s32 $0xFFFFFFFD, s15;
	v12 =	vsel vm6, s19, v2;
	v14 =	vsel vm7, s17, v14;
	[sflag:s11] =	ssyncset.done $0x0;
	v2 =	vsel vm8, s18, v1  }
0x2a: {  	s22 =	sadd.s32 $0xFFFFFFFE, s17;
	s23 =	simm.s32 $0x8040;
	v13 =	vsel vm2, s20, v13;
	vm4 =	vgt.f32 v9, v11;
	[sflag:s11] =	ssyncadd.s32 $0xFFFF8000;
	vm2 =	vgt.f32 v3, v8  }
0x2b: {  	v1 =	vsel vm4, v9, v11;
	v2 =	vsel vm4, s21, v2;
	v9 =	vsel vm3, s22, v13;
	v11 =	vld [tilespmem:s23+$0xFFFFFFC0]  }
0x2c: {  	s28 =	sadd.s32 $0xFFFFFFFA, s15;
	vm3 =	vgt.f32 v5, v7;
	v3 =	vsel vm2, v3, v8;
	v13 =	vld [tilespmem:s23+$0x0];
	vm4 =	vgt.f32 v6, v10  }
0x2d: {  	v21 =	vld [tilespmem:s23+$0x10];
	v5 =	vsel vm3, v5, v7;
	vm5 =	vgt.f32 v4, v3;
	v8 =	vsel vm2, s28, v9  }
0x2e: {  	s25 =	sadd.s32 $0xFFFFFFFC, s15;
	v22 =	vld [tilespmem:s23+$0xFFFFFFE0];
	v6 =	vsel vm4, v6, v10;
	vm6 =	vgt.f32 v15, v5;
	v3 =	vsel vm5, v4, v3  }
0x2f: {  	s24 =	sadd.s32 $0xFFFFFFFB, s15;
	v10 =	vld [tilespmem:s23+$0xFFFFFFD0];
	v7 =	vsel vm4, s25, v14;
	vm7 =	vgt.f32 v16, v6;
	v4 =	vsel vm6, v15, v5  }
0x30: {  	s29 =	sadd.s32 $0xFFFFFFFE, s15;
	v15 =	vimm.f32 $-Inf;
	v5 =	vsel vm7, v16, v6;
	v6 =	vsel vm3, s24, v12;
	v12 =	vld [tilespmem:s23+$0xFFFFFFF0]  }
0x31: {  	s26 =	sadd.s32 $0xFFFFFFFF, s15;
	v23 =	vld [tilespmem:s23+$0x20];
	v8 =	vsel vm5, s29, v8;
	v7 =	vsel vm7, s15, v7;
	vm3 =	vgt.f32 v11, v15  }
0x32: {  	s30 =	simm.s32 $0x0;
	s16 =	simm.s32 $0x80C0;
	v24 =	vld [tilespmem:s23+$0x30];
	v16 =	vimm.s32 $0x0;
	v6 =	vsel vm6, s26, v6;
	v11 =	vsel vm3, v11, v15  }
0x33: {  	s31 =	simm.s32 $0x4;
	v18 =	vld [tilespmem:s16+$0x0];
	vm4 =	vgt.f32 v22, v15;
	v9 =	vsel vm3, s30, v16;
	vm2 =	vgt.f32 v13, v11  }
0x34: {  	v19 =	vld [tilespmem:s16+$0xFFFFFFC0];
	v20 =	vsel vm2, v13, v11;
	v17 =	vsel vm2, s31, v9;
	vm2 =	vgt.f32 v10, v15  }
0x35: {  	v22 =	vsel vm4, v22, v15;
	v9 =	vld [tilespmem:s16+$0x10];
	vm5 =	vgt.f32 v12, v15;
	v13 =	vsel vm2, v10, v15  }
0x36: {  	vm6 =	vgt.f32 v23, v22;
	v11 =	vld [tilespmem:s16+$0xFFFFFFE0];
	v15 =	vsel vm5, v12, v15;
	vm3 =	vgt.f32 v21, v13  }
0x37: {  	s17 =	simm.s32 $0x7;
	s18 =	simm.s32 $0x17;
	v10 =	vld [tilespmem:s16+$0xFFFFFFD0];
	vm7 =	vgt.f32 v24, v15;
	v14 =	vsel vm3, v21, v13;
	v13 =	vsel vm6, v23, v22  }
0x38: {  	s19 =	simm.s32 $0x2;
	s20 =	simm.s32 $0x3;
	s15 =	simm.s32 $0xF;
	v12 =	vld [tilespmem:s16+$0xFFFFFFF0];
	v22 =	vimm.s32 $0x0;
	v21 =	vimm.s32 $0x0;
	v15 =	vsel vm7, v24, v15  }
.LBB2_4:
0x39: {  	p0 =	sne.s32 s18, $0x7FF;
	vm8 =	vgt.f32 v19, v20;
	v23 =	vld [tilespmem:s16+$0x20];
	v16 =	vsel vm4, s19, v16;
	v22 =	vsel vm5, s20, v22;
	s19 =	sadd.s32 $0xFFFFFFFF, s17  }
0x3a: {  	s20 =	sadd.s32 $0xFFFFFFF9, s15;
	s21 =	sadd.s32 $0xFFFFFFFA, s17;
	v20 =	vsel vm8, v19, v20;
	v24 =	vld [tilespmem:s16+$0x30];
	s16 =	sadd.s32 $0x80, s16;
	v16 =	vsel vm6, s19, v16;
	v22 =	vsel vm7, s17, v22;
	v25 =	vmovc v9  }
0x3b: {  	v9 =	vsel vm8, s20, v17;
	s19 =	sadd.s32 $0xFFFFFFFD, s15;
	v21 =	vsel vm2, s21, v21;
	s20 =	sadd.s32 $0xFFFFFFFE, s17;
	s17 =	smov.u32 s15;
	v26 =	vld [tilespmem:s16+$0x0];
	vm4 =	vgt.f32 v18, v20  }
.Ltmp1:
0x3c: {  	s15 =	smov.u32 s18;
	v21 =	vsel vm3, s20, v21;
	v19 =	vld [tilespmem:s16+$0xFFFFFFC0];
	v20 =	vsel vm4, v18, v20;
	v17 =	vsel vm4, s19, v9;
	(pc) =	sbr.rel @p0 .LBB2_4-.Ltmp1, $4  }
0x3d: {  	vm2 =	vgt.f32 v10, v14;
	vm4 =	vgt.f32 v11, v13;
	v9 =	vld [tilespmem:s16+$0x10];
	vm5 =	vgt.f32 v12, v15  }
0x3e: {  	v14 =	vsel vm2, v10, v14;
	v13 =	vsel vm4, v11, v13;
	v10 =	vld [tilespmem:s16+$0xFFFFFFD0];
	v15 =	vsel vm5, v12, v15  }
0x3f: {  	vm3 =	vgt.f32 v25, v14;
	vm6 =	vgt.f32 v23, v13;
	v11 =	vld [tilespmem:s16+$0xFFFFFFE0];
	vm7 =	vgt.f32 v24, v15  }
0x40: {  	s18 =	sadd.s32 $0x8, s18;
	s20 =	sadd.s32 $0xFFFFFFFC, s17;
	s19 =	sadd.s32 $0xFFFFFFFB, s17;
	v14 =	vsel vm3, v25, v14;
	v13 =	vsel vm6, v23, v13;
	v12 =	vld [tilespmem:s16+$0xFFFFFFF0];
	v15 =	vsel vm7, v24, v15;
	v18 =	vmovc v26  }
0x41: {  	vm8 =	vgt.f32 v19, v20  }
0x42: {  	v16 =	vsel vm4, s19, v16;
	v22 =	vsel vm5, s20, v22;
	vm12 =	veq.f32 v1, v3  }
0x43: {  	s18 =	sadd.s32 $0xFFFFFFFF, s17;
	vm13 =	vlt.s32 v2, v8;
	vm14 =	veq.f32 v4, v5;
	vm15 =	vlt.s32 v6, v7  }
0x44: {  	s31 =	sadd.s32 $0xFFFFFFF9, s15;
	s20 =	sadd.s32 $0xFFFFFFFA, s17;
	vm9 =	vgt.f32 v4, v5;
	v19 =	vsel vm8, v19, v20;
	v16 =	vsel vm6, s18, v16  }
0x45: {  	v47 =	vsel vm7, s17, v22;
	v17 =	vsel vm8, s31, v17;
	v21 =	vsel vm2, s20, v21  }
0x46: {  	s22 =	sadd.s32 $0xFFFFFFFE, s17;
	vm4 =	vmand vm12, vm13;
	vm5 =	vmand vm14, vm15;
	vm11 =	vgt.f32 v18, v19  }
0x47: {  	s21 =	sadd.s32 $0xFFFFFFFD, s15;
	v48 =	vsel vm3, s22, v21;
	vm2 =	vgt.f32 v10, v14;
	vm3 =	vgt.f32 v1, v3  }
0x48: {  	v18 =	vsel vm11, v18, v19;
	v17 =	vsel vm11, s21, v17;
	vm3 =	vmor vm3, vm4  }
0x49: {  	s26 =	sadd.s32 $0xFFFFFFFA, s15;
	vm6 =	vgt.f32 v11, v13;
	vm4 =	vmor vm9, vm5;
	v52 =	vsel vm2, v10, v14  }
0x4a: {  	v49 =	vld [tilespmem:s16+$0x20];
	v59 =	vsel vm2, s26, v48;
	v1 =	vsel vm3, v1, v3;
	v2 =	vsel vm3, v2, v8  }
0x4b: {  	v50 =	vsel vm4, v4, v5;
	v51 =	vsel vm4, v6, v7;
	vm3 =	vgt.f32 v12, v15  }
0x4c: {  	v53 =	vsel vm6, v11, v13;
	vm10 =	veq.f32 v1, v50;
	vm11 =	vlt.s32 v2, v51  }
0x4d: {  	s23 =	sadd.s32 $0xFFFFFFFB, s15;
	v3 =	vld [tilespmem:s16+$0x30];
	vm13 =	vgt.f32 v9, v52;
	vm12 =	vgt.f32 v1, v50;
	vm4 =	vmand vm10, vm11  }
0x4e: {  	v57 =	vsel vm6, s23, v16;
	v54 =	vsel vm3, v12, v15;
	vm4 =	vmor vm12, vm4  }
0x4f: {  	s24 =	sadd.s32 $0xFFFFFFFC, s15;
	s28 =	sadd.s32 $0xFFFFFFFE, s15;
	vm14 =	vgt.f32 v49, v53;
	v55 =	vsel vm13, v9, v52;
	v1 =	vsel vm4, v1, v50  }
0x50: {  	s25 =	sadd.s32 $0xFFFFFFFF, s15;
	v58 =	vsel vm3, s24, v47;
	v61 =	vsel vm13, s28, v59;
	v56 =	vsel vm14, v49, v53;
	(xrf0) =	vmax.scan.msk.f32 $0xffff, v1  }
0x51: {  	v7 =	vsel vm14, s25, v57;
	vm3 =	veq.f32 v18, v55;
	vm11 =	vlt.s32 v17, v61  }
0x52: {  	vm2 =	vgt.f32 v18, v55;
	vm3 =	vmand vm3, vm11;
	vm15 =	vgt.f32 v3, v54  }
0x53: {  	v2 =	vsel vm4, v2, v51;
	v3 =	vsel vm15, v3, v54;
	v60 =	vsel vm15, s15, v58  }
0x54: {  	vm2 =	vmor vm2, vm3;
	vm12 =	veq.f32 v56, v3;
	vm13 =	vlt.s32 v7, v60  }
0x55: {  	v2 =	vshll.u32 v2, $0x4;
	vm3 =	vgt.f32 v56, v3;
	vm4 =	vmand vm12, vm13  }
0x56: {  	v4 =	vsel vm2, v18, v55;
	v8 =	vsel vm2, v17, v61;
	vm3 =	vmor vm3, vm4;
	v62, _, _ =	vpop (xrf0)  }
0x57: {  	v3 =	vsel vm3, v56, v3;
	v5 =	vsel vm3, v7, v60;
	v9 =	vbroadcast v62, $0xF  }
0x58: {  	vm3 =	veq.f32 v4, v3;
	vm14 =	vlt.s32 v8, v5;
	vm15 =	vgt.f32 v4, v3  }
0x59: {  	vm3 =	vmand vm3, vm14;
	vm2 =	veq.f32 v1, v9;
	v1 =	vxor.u32 v0, v2  }
0x5a: {  	v1 =	vnsel vm2, $0xFFFFFFFF, v1;
	vm2 =	vmor vm15, vm3  }
0x5b: {  	(xrf0) =	vmin.scan.msk.u32 $0xffff, v1;
	v1 =	vsel vm2, v4, v3  }
0x5c: {  	(xrf0) =	vmax.scan.msk.f32 $0xffff, v1;
	_ =	sdelay $0x4  }
0x5d: {  	v2, _, _ =	vpop (xrf0)  }
0x5e: {  	v3, _, _ =	vpop (xrf0)  }
0x5f: {  	v63 =	vsel vm2, v8, v5;
	v3 =	vbroadcast v3, $0xF  }
0x60: {  	v4 =	vshll.u32 v63, $0x4  }
0x61: {  	vm2 =	veq.f32 v1, v3;
	v1 =	vxor.u32 v0, v4  }
0x62: {  	v1 =	vnsel vm2, $0xFFFFFFFF, v1  }
0x63: {  	(xrf0) =	vmin.scan.msk.u32 $0xffff, v1;
	_ =	sdelay $0x4  }
0x64: {  	(v2sf) =	vpush v2, $0xF  }
0x65: {  	v1, _, _ =	vpop (xrf0)  }
0x66: {  	(v2sf) =	vpush v1, $0xF;
	_ =	sdelay $0xc  }
0x67: {  	s29 =	spop (v2sf)  }
0x68: {  	s15 =	sxor.u32 $0x80000000, s29  }
0x69: {  	v1 =	vmov s15;
	s30 =	spop (v2sf)  }
0x6a: {  	s14 =	sadd.s32 $0x1, s14;
	v1 =	vnsel vm0, $0x0, v1;
	s31 =	sxor.u32 $0x80000000, s30  }
0x6b: {  	p0 =	sne.s32 s14, s6;
	v1 =	vsel vm1, s31, v1  }
.Ltmp2:
0x6c: {  	[tilespmem:$0x10000] =	vst v1;
	(pc) =	sbr.rel @p0 .LBB2_1-.Ltmp2, $4  }
0x6d: {  	[hbm4b:s5+s2] =	stream.linear.scatter [tilespmem:s12], [sflag:$0x3], $0x80, $0x38;
	[tilespmem:$0x10080] =	vst v63  }
0x6e: {  	_ =	swait.ge [sflag:s13], $0x80  }
0x6f: {  	[sflag:s13] =	ssyncset.done $0x0  }
0x70: {  	[sflag:s13] =	ssyncadd.s32 $0xFFFFFF80  }
0x71: {  	_ =	sfence.sel $0x180000  }
0x72: {  	[bflag:$0x0] =	sbarrier.arrive $0xFFFF  }
0x73: {  	p0 =	sne.s32 s0, $0x0;
	_ =	strace $0x90000047  }
0x74: {  	s0 =	sadd.s32 @!p0 $0x100000, s1;
	[bflag:$0x2] =	sbarrier.arrive $0xFFFF  }
0x75: {  	[sflag:s0] =	ssyncadd.tile.s32 @!p0 $0x1;
	_ =	shalt  }
.Lfunc_end2:
_tile_overlayer_lowered:
.L_overlay_start_2:
0x76: {  	(tag) =	ssettag $0x2  }
0x77: {  	s0 =	rddreg [dreg:$0x0];
	s2 =	stileid.u32  }
0x78: {  	s1 =	rddreg [dreg:$0x1];
	p0 =	sne.s32 s2, $0x0  }
0x79: {  	s3 =	rddreg [dreg:$0x2];
	[bflag:$0x3] =	sbarrier.arrive $0xFFFF;
	s2 =	simm.s32 @!p0 $0x1C03  }
0x7a: {  	[timem:s3], [sflag:s2] =	dma.local @!p0 [hbm:s0], s1  }
0x7b: {  	s0 =	simm.s32 @!p0 $0x3  }
0x7c: {  	_ =	swait.ge @!p0 [sflag:s0], s1  }
0x7d: {  	s1 =	ssub.s32 @!p0 $0x0, s1;
	[sflag:s0] =	ssyncset.done @!p0 $0x0  }
0x7e: {  	[sflag:s0] =	ssyncadd.s32 @!p0 s1  }
0x7f: {  	[bflag:$0x3] =	sbarrier.arrive $0xFFFF  }
0x80: {  	_ =	shalt  }

</sc_bundles>
